<compile_context>
chip_gen: v7x
topology: tpu7x:2x2x1
jax: 0.10.2.dev20260603
libtpu: 0.0.44.dev20260713+nightly
codegen_flags: <defaults>
</compile_context>

<pallas_src>
import functools

import jax
import jax.numpy as jnp
from jax import lax
from jax.experimental import pallas as pl
from jax.experimental.pallas import tpu as pltpu
from jax.experimental.pallas import tpu_sc as plsc

_BLK = 16384
_QH = 1 << 18


def _bf16_bits(a):
    u = jax.lax.bitcast_convert_type(a, jnp.uint32)
    return (u + 0x7FFF + ((u >> 16) & 1)) >> 16


def _tc_premul(table_t, W_lo, W_hi):
    C, R = table_t.shape
    nb = _QH // _BLK
    last_blk = (R - 1) // _BLK

    def body(t0_ref, t1_ref, t2_ref, t3_ref, wlo_ref, whi_ref, o_ref):
        tcat = jnp.concatenate(
            [t0_ref[...], t1_ref[...], t2_ref[...], t3_ref[...]], axis=0
        ).astype(jnp.bfloat16)
        dn = (((0,), (0,)), ((), ()))
        lo = jax.lax.dot_general(
            tcat, wlo_ref[...], dn, preferred_element_type=jnp.float32
        )
        hi = jax.lax.dot_general(
            tcat, whi_ref[...], dn, preferred_element_type=jnp.float32
        )
        o_ref[...] = _bf16_bits(lo) | (_bf16_bits(hi) << 16)

    def in_map(q):
        return lambda i: (0, jnp.minimum(i + q * nb, last_blk))

    return pl.pallas_call(
        body,
        grid=(nb,),
        in_specs=[
            pl.BlockSpec((C, _BLK), in_map(0)),
            pl.BlockSpec((C, _BLK), in_map(1)),
            pl.BlockSpec((C, _BLK), in_map(2)),
            pl.BlockSpec((C, _BLK), in_map(3)),
            pl.BlockSpec((4 * C, 2 * C), lambda i: (0, 0)),
            pl.BlockSpec((4 * C, 2 * C), lambda i: (0, 0)),
        ],
        out_specs=pl.BlockSpec((_BLK, 128), lambda i: (i, 0)),
        out_shape=jax.ShapeDtypeStruct((_QH, 128), jnp.uint32),
        compiler_params=pltpu.CompilerParams(vmem_limit_bytes=120 * 1024 * 1024),
    )(table_t, table_t, table_t, table_t, W_lo, W_hi)


def _sc_gather(idx, mm_flat):
    B, = idx.shape
    N, D = mm_flat.shape
    info = plsc.get_sparse_core_info()
    NC, NS = info.num_cores, info.num_subcores
    NW = NC * NS
    b_per_w = B // NW

    mesh = plsc.VectorSubcoreMesh(core_axis_name="c", subcore_axis_name="s")

    @functools.partial(
        pl.kernel,
        mesh=mesh,
        out_type=jax.ShapeDtypeStruct((B, D), jnp.uint32),
        scratch_types=[
            pltpu.VMEM((b_per_w,), jnp.int32),
            pltpu.VMEM((b_per_w, D), jnp.uint32),
            pltpu.SemaphoreType.DMA,
        ],
        compiler_params=pltpu.CompilerParams(use_tc_tiling_on_sc=False),
    )
    def k(idx_hbm, mm_hbm, out_hbm, idx_v, rows_v, sem):
        wid = lax.axis_index("s") * NC + lax.axis_index("c")
        base = wid * b_per_w
        pltpu.sync_copy(idx_hbm.at[pl.ds(base, b_per_w)], idx_v)
        pltpu.async_copy(mm_hbm.at[idx_v], rows_v, sem).wait()
        pltpu.sync_copy(rows_v, out_hbm.at[pl.ds(base, b_per_w)])

    return k(idx, mm_flat)


def _tc_bias_tanh(zp, b_lo, b_hi):
    N, D2 = zp.shape
    BLK = 1024

    def body(z_ref, blo_ref, bhi_ref, o_ref):
        z = z_ref[...]
        lo = jax.lax.bitcast_convert_type(z << 16, jnp.float32)
        hi = jax.lax.bitcast_convert_type(z & jnp.uint32(0xFFFF0000), jnp.float32)
        ylo = jnp.tanh(lo + blo_ref[...])
        yhi = jnp.tanh(hi + bhi_ref[...])
        parts = []
        for q in range(4):
            parts.append(ylo[:, 32 * q : 32 * (q + 1)])
            parts.append(yhi[:, 32 * q : 32 * (q + 1)])
        o_ref[...] = jnp.concatenate(parts, axis=1)

    return pl.pallas_call(
        body,
        grid=(N // BLK,),
        in_specs=[
            pl.BlockSpec((BLK, D2), lambda i: (i, 0)),
            pl.BlockSpec((1, D2), lambda i: (0, 0)),
            pl.BlockSpec((1, D2), lambda i: (0, 0)),
        ],
        out_specs=pl.BlockSpec((BLK, 2 * D2), lambda i: (i, 0)),
        out_shape=jax.ShapeDtypeStruct((N, 2 * D2), jnp.float32),
    )(zp, b_lo, b_hi)


def kernel(x, table, W, b):
    B = x.shape[0]
    R, D = table.shape
    eye4 = jnp.eye(4, dtype=W.dtype)
    W_lo = jnp.kron(eye4, W[: D // 2].T).astype(jnp.bfloat16)
    W_hi = jnp.kron(eye4, W[D // 2 :].T).astype(jnp.bfloat16)
    mm = _tc_premul(table.T, W_lo, W_hi)
    last = x[:, -1].astype(jnp.int32)
    fidx = 4 * (last & (_QH - 1)) + (last >> 18)
    mm_flat = mm.reshape(4 * _QH, D // 2)
    z = _sc_gather(fidx, mm_flat)
    zp = z.reshape(B // 4, 128)
    b_lo = jnp.tile(b[:32], 4).reshape(1, 128)
    b_hi = jnp.tile(b[32:], 4).reshape(1, 128)
    out = _tc_bias_tanh(zp, b_lo, b_hi)
    return out.reshape(B, D)

# --- scband reference (transcript-rebuilt; emitter-appended) ---
"""Pipeline reference for scband-only-last-item-53910429499642 (READ-ONLY COPY).

The authoritative reference and input builder live on the scoring server;
editing this copy changes nothing except your own understanding.
"""

import jax, jax.numpy as jnp
import numpy as np

ITEMS_NUM = 1000000
EMB_DIM = 64
BATCH = 16384
HIST_LEN = 50


def setup_inputs(seed: int = 0) -> dict:
    key = jax.random.key(seed)
    k1, k2, k3, k4 = jax.random.split(key, 4)
    x = jax.random.randint(k1, (BATCH, HIST_LEN), 0, ITEMS_NUM)
    table = jax.random.normal(k2, (ITEMS_NUM, EMB_DIM), dtype=jnp.float32)
    # nn.Linear(emb_dim, emb_dim): weight [out, in], bias [out]
    lim = 1.0 / np.sqrt(EMB_DIM)
    W = jax.random.uniform(k3, (EMB_DIM, EMB_DIM), minval=-lim, maxval=lim, dtype=jnp.float32)
    b = jax.random.uniform(k4, (EMB_DIM,), minval=-lim, maxval=lim, dtype=jnp.float32)
    return {"x": x, "table": table, "W": W, "b": b}


def reference(x, table, W, b):
    # embed(x[:, -1]) -> gather rows from the embedding table (max_norm=None)
    last = x[:, -1]
    s_z = jnp.take(table, last, axis=0)
    # Linear: y = z @ W^T + b
    s_z = s_z @ W.T + b
    # activation: tanh
    return jnp.tanh(s_z)

if __name__ == "__main__":
    import jax
    _d = setup_inputs()
    print(jax.jit(kernel)(*tuple(_d.values())))

</pallas_src>

<mosaic_0001>
#map = affine_map<(d0, d1) -> (0)>
#map1 = affine_map<(d0, d1) -> (0, 0)>
module attributes {stable_mosaic.version = 14 : i64} {
  func.func @k(%arg0: i32, %arg1: i32, %arg2: memref<16384xi32, #tpu.memory_space<hbm>>, %arg3: memref<1048576x32xi32, #tpu.memory_space<hbm>>, %arg4: memref<16384x32xi32, #tpu.memory_space<hbm>>, %arg5: memref<512xi32, #tpu.memory_space<vmem>>, %arg6: memref<512x32xi32, #tpu.memory_space<vmem>>, %arg7: memref<!tpu.dma_semaphore, #tpu.memory_space<semaphore_mem>>) attributes {dimension_semantics = [#tpu.dimension_semantics<core_parallel>, #tpu.dimension_semantics<subcore_parallel>], iteration_bounds = array<i64: 2, 16>, scalar_prefetch = 0 : i64, scratch_operands = 3 : i64, tpu.core_type = #tpu.core_type<sc_vector_subcore>, window_params = [{transform_indices = #map}, {transform_indices = #map1}, {transform_indices = #map1}]} {
    %mul3A = arith.constant 2 : i32
    %mul3A_0 = arith.muli %arg1, %mul3A : i32
    %add3A = arith.addi %mul3A_0, %arg0 : i32
    %mul3A_1 = arith.constant 512 : i32
    %mul3A_2 = arith.muli %add3A, %mul3A_1 : i32
    "tpu.region"() ({
      %run_scoped3A = tpu.sem_alloc : memref<!tpu.dma_semaphore, #tpu.memory_space<semaphore_mem>>
      %dma_start3A_7 = tpu.memref_slice %arg2[%mul3A_2] : memref<16384xi32, #tpu.memory_space<hbm>> -> memref<512xi32, #tpu.memory_space<hbm>>
      %dma_start3A_8 = tpu.memref_slice %arg2[%mul3A_2] : memref<16384xi32, #tpu.memory_space<hbm>> -> memref<512xi32, #tpu.memory_space<hbm>>
      tpu.enqueue_dma source(%dma_start3A_8 : memref<512xi32, #tpu.memory_space<hbm>>) target(%arg5 : memref<512xi32, #tpu.memory_space<vmem>>) target_semaphore(%run_scoped3A : memref<!tpu.dma_semaphore, #tpu.memory_space<semaphore_mem>>)
      %dma_wait3A_9 = tpu.memref_slice %arg2[%mul3A_2] : memref<16384xi32, #tpu.memory_space<hbm>> -> memref<512xi32, #tpu.memory_space<hbm>>
      %dma_wait3A_10 = tpu.memref_slice %arg2[%mul3A_2] : memref<16384xi32, #tpu.memory_space<hbm>> -> memref<512xi32, #tpu.memory_space<hbm>>
      tpu.wait_dma2 semaphore(%run_scoped3A : memref<!tpu.dma_semaphore, #tpu.memory_space<semaphore_mem>>) src(%dma_wait3A_10 : memref<512xi32, #tpu.memory_space<hbm>>) dst(%arg5 : memref<512xi32, #tpu.memory_space<vmem>>)
      tpu.yield
    }) : () -> ()
    %dma_start3A = arith.constant 0 : i32
    %dma_start3A_3 = arith.constant 0 : i32
    %dma_start3A_4 = tpu.memref_slice %arg3[%dma_start3A, %dma_start3A_3] : memref<1048576x32xi32, #tpu.memory_space<hbm>> -> memref<1048576x32xi32, #tpu.memory_space<hbm>>
    tpu.enqueue_indirect_dma source(%dma_start3A_4 : memref<1048576x32xi32, #tpu.memory_space<hbm>>) target(%arg6 : memref<512x32xi32, #tpu.memory_space<vmem>>) offsets(%arg5 : memref<512xi32, #tpu.memory_space<vmem>>) semaphore(%arg7 : memref<!tpu.dma_semaphore, #tpu.memory_space<semaphore_mem>>)
    %dma_wait3A = arith.constant 0 : i32
    %dma_wait3A_5 = arith.constant 0 : i32
    %dma_wait3A_6 = tpu.memref_slice %arg3[%dma_wait3A, %dma_wait3A_5] : memref<1048576x32xi32, #tpu.memory_space<hbm>> -> memref<1048576x32xi32, #tpu.memory_space<hbm>>
    tpu.wait_indirect_dma semaphore(%arg7 : memref<!tpu.dma_semaphore, #tpu.memory_space<semaphore_mem>>) src(%dma_wait3A_6 : memref<1048576x32xi32, #tpu.memory_space<hbm>>) dst(%arg6 : memref<512x32xi32, #tpu.memory_space<vmem>>)
    "tpu.region"() ({
      %run_scoped3A = tpu.sem_alloc : memref<!tpu.dma_semaphore, #tpu.memory_space<semaphore_mem>>
      %dma_start3A_7 = arith.constant 0 : i32
      %dma_start3A_8 = tpu.memref_slice %arg4[%mul3A_2, %dma_start3A_7] : memref<16384x32xi32, #tpu.memory_space<hbm>> -> memref<512x32xi32, #tpu.memory_space<hbm>>
      %dma_start3A_9 = arith.constant 0 : i32
      %dma_start3A_10 = tpu.memref_slice %arg4[%mul3A_2, %dma_start3A_9] : memref<16384x32xi32, #tpu.memory_space<hbm>> -> memref<512x32xi32, #tpu.memory_space<hbm>>
      tpu.enqueue_dma source(%arg6 : memref<512x32xi32, #tpu.memory_space<vmem>>) target(%dma_start3A_10 : memref<512x32xi32, #tpu.memory_space<hbm>>) target_semaphore(%run_scoped3A : memref<!tpu.dma_semaphore, #tpu.memory_space<semaphore_mem>>)
      %dma_wait3A_11 = arith.constant 0 : i32
      %dma_wait3A_12 = tpu.memref_slice %arg4[%mul3A_2, %dma_wait3A_11] : memref<16384x32xi32, #tpu.memory_space<hbm>> -> memref<512x32xi32, #tpu.memory_space<hbm>>
      %dma_wait3A_13 = arith.constant 0 : i32
      %dma_wait3A_14 = tpu.memref_slice %arg4[%mul3A_2, %dma_wait3A_13] : memref<16384x32xi32, #tpu.memory_space<hbm>> -> memref<512x32xi32, #tpu.memory_space<hbm>>
      tpu.wait_dma2 semaphore(%run_scoped3A : memref<!tpu.dma_semaphore, #tpu.memory_space<semaphore_mem>>) src(%arg6 : memref<512x32xi32, #tpu.memory_space<vmem>>) dst(%dma_wait3A_14 : memref<512x32xi32, #tpu.memory_space<hbm>>)
      tpu.yield
    }) : () -> ()
    return
  }
}

module attributes {stable_mosaic.version = 14 : i64} {
  func.func @body(%arg0: i32, %arg1: memref<64x16384xf32, #tpu.memory_space<vmem>>, %arg2: memref<64x16384xf32, #tpu.memory_space<vmem>>, %arg3: memref<64x16384xf32, #tpu.memory_space<vmem>>, %arg4: memref<64x16384xf32, #tpu.memory_space<vmem>>, %arg5: memref<256x128xbf16, #tpu.memory_space<vmem>>, %arg6: memref<256x128xbf16, #tpu.memory_space<vmem>>, %arg7: memref<16384x128xi32, #tpu.memory_space<vmem>>) attributes {dimension_semantics = [#tpu.dimension_semantics<arbitrary>], iteration_bounds = array<i64: 16>, scalar_prefetch = 0 : i64, scratch_operands = 0 : i64, tpu.core_type = #tpu.core_type<tc>, window_params = [{transform_indices = @transform_0, window_bounds = array<i64: 64, 16384>}, {transform_indices = @transform_1, window_bounds = array<i64: 64, 16384>}, {transform_indices = @transform_2, window_bounds = array<i64: 64, 16384>}, {transform_indices = @transform_3, window_bounds = array<i64: 64, 16384>}, {pipeline_mode = #tpu.pipeline_mode<synchronous>, transform_indices = @transform_4, window_bounds = array<i64: 256, 128>}, {pipeline_mode = #tpu.pipeline_mode<synchronous>, transform_indices = @transform_5, window_bounds = array<i64: 256, 128>}, {transform_indices = @transform_6, window_bounds = array<i64: 16384, 128>}]} {
    %get3A = arith.constant 0 : index
    %get3A_0 = arith.constant 0 : index
    %get3A_1 = vector.load %arg1[%get3A, %get3A_0] : memref<64x16384xf32, #tpu.memory_space<vmem>>, vector<64x16384xf32>
    %get3A_2 = arith.constant 0 : index
    %get3A_3 = arith.constant 0 : index
    %get3A_4 = vector.load %arg2[%get3A_2, %get3A_3] : memref<64x16384xf32, #tpu.memory_space<vmem>>, vector<64x16384xf32>
    %get3A_5 = arith.constant 0 : index
    %get3A_6 = arith.constant 0 : index
    %get3A_7 = vector.load %arg3[%get3A_5, %get3A_6] : memref<64x16384xf32, #tpu.memory_space<vmem>>, vector<64x16384xf32>
    %get3A_8 = arith.constant 0 : index
    %get3A_9 = arith.constant 0 : index
    %get3A_10 = vector.load %arg4[%get3A_8, %get3A_9] : memref<64x16384xf32, #tpu.memory_space<vmem>>, vector<64x16384xf32>
    %concatenate3A = tpu.concatenate %get3A_1, %get3A_4, %get3A_7, %get3A_10 in 0 : vector<64x16384xf32>, vector<64x16384xf32>, vector<64x16384xf32>, vector<64x16384xf32> -> vector<256x16384xf32>
    %convert_element_type3A = arith.truncf %concatenate3A : vector<256x16384xf32> to vector<256x16384xbf16>
    %get3A_11 = arith.constant 0 : index
    %get3A_12 = arith.constant 0 : index
    %get3A_13 = vector.load %arg5[%get3A_11, %get3A_12] : memref<256x128xbf16, #tpu.memory_space<vmem>>, vector<256x128xbf16>
    %dot_general3A = arith.constant dense<0.000000e+00> : vector<16384x128xf32>
    %dot_general3A_14 = tpu.matmul %convert_element_type3A, %get3A_13, %dot_general3A {dimension_numbers = #tpu.dot_dimension_numbers<[0], [0], [1], [1], [0, 1, 1, 1], [], []>, transpose_lhs_hint = false} : vector<256x16384xbf16>, vector<256x128xbf16>, vector<16384x128xf32> -> vector<16384x128xf32>
    %get3A_15 = arith.constant 0 : index
    %get3A_16 = arith.constant 0 : index
    %get3A_17 = vector.load %arg6[%get3A_15, %get3A_16] : memref<256x128xbf16, #tpu.memory_space<vmem>>, vector<256x128xbf16>
    %dot_general3A_18 = arith.constant dense<0.000000e+00> : vector<16384x128xf32>
    %dot_general3A_19 = tpu.matmul %convert_element_type3A, %get3A_17, %dot_general3A_18 {dimension_numbers = #tpu.dot_dimension_numbers<[0], [0], [1], [1], [0, 1, 1, 1], [], []>, transpose_lhs_hint = false} : vector<256x16384xbf16>, vector<256x128xbf16>, vector<16384x128xf32> -> vector<16384x128xf32>
    %bitcast_convert_type3A = tpu.bitcast %dot_general3A_14 : vector<16384x128xf32> -> vector<16384x128xi32>
    %add3A = arith.constant 32767 : i32
    %add3A_20 = vector.broadcast %add3A : i32 to vector<16384x128xi32>
    %add3A_21 = arith.addi %bitcast_convert_type3A, %add3A_20 : vector<16384x128xi32>
    %shift_right_logical3A = arith.constant 16 : i32
    %shift_right_logical3A_22 = vector.broadcast %shift_right_logical3A : i32 to vector<16384x128xi32>
    %shift_right_logical3A_23 = arith.shrui %bitcast_convert_type3A, %shift_right_logical3A_22 : vector<16384x128xi32>
    %and3A = arith.constant 1 : i32
    %and3A_24 = vector.broadcast %and3A : i32 to vector<16384x128xi32>
    %and3A_25 = arith.andi %shift_right_logical3A_23, %and3A_24 : vector<16384x128xi32>
    %add3A_26 = arith.addi %add3A_21, %and3A_25 : vector<16384x128xi32>
    %shift_right_logical3A_27 = arith.constant 16 : i32
    %shift_right_logical3A_28 = vector.broadcast %shift_right_logical3A_27 : i32 to vector<16384x128xi32>
    %shift_right_logical3A_29 = arith.shrui %add3A_26, %shift_right_logical3A_28 : vector<16384x128xi32>
    %bitcast_convert_type3A_30 = tpu.bitcast %dot_general3A_19 : vector<16384x128xf32> -> vector<16384x128xi32>
    %add3A_31 = arith.constant 32767 : i32
    %add3A_32 = vector.broadcast %add3A_31 : i32 to vector<16384x128xi32>
    %add3A_33 = arith.addi %bitcast_convert_type3A_30, %add3A_32 : vector<16384x128xi32>
    %shift_right_logical3A_34 = arith.constant 16 : i32
    %shift_right_logical3A_35 = vector.broadcast %shift_right_logical3A_34 : i32 to vector<16384x128xi32>
    %shift_right_logical3A_36 = arith.shrui %bitcast_convert_type3A_30, %shift_right_logical3A_35 : vector<16384x128xi32>
    %and3A_37 = arith.constant 1 : i32
    %and3A_38 = vector.broadcast %and3A_37 : i32 to vector<16384x128xi32>
    %and3A_39 = arith.andi %shift_right_logical3A_36, %and3A_38 : vector<16384x128xi32>
    %add3A_40 = arith.addi %add3A_33, %and3A_39 : vector<16384x128xi32>
    %shift_right_logical3A_41 = arith.constant 16 : i32
    %shift_right_logical3A_42 = vector.broadcast %shift_right_logical3A_41 : i32 to vector<16384x128xi32>
    %shift_right_logical3A_43 = arith.shrui %add3A_40, %shift_right_logical3A_42 : vector<16384x128xi32>
    %shift_left3A = arith.constant 16 : i32
    %shift_left3A_44 = vector.broadcast %shift_left3A : i32 to vector<16384x128xi32>
    %shift_left3A_45 = arith.shli %shift_right_logical3A_43, %shift_left3A_44 : vector<16384x128xi32>
    %or3A = arith.ori %shift_right_logical3A_29, %shift_left3A_45 : vector<16384x128xi32>
    %swap3A = arith.constant 0 : index
    %swap3A_46 = arith.constant 0 : index
    %swap3A_47 = vector.load %arg7[%swap3A, %swap3A_46] : memref<16384x128xi32, #tpu.memory_space<vmem>>, vector<16384x128xi32>
    tpu.vector_store %arg7[%swap3A, %swap3A_46], %or3A {strides = array<i32>} : memref<16384x128xi32, #tpu.memory_space<vmem>>, vector<16384x128xi32>,
    return
  }
  func.func @transform_0(%arg0: i32) -> (i32, i32) {
    %add3A = arith.constant 0 : i32
    %add3A_0 = arith.addi %arg0, %add3A : i32
    %min3A = arith.constant 61 : i32
    %min3A_1 = arith.minsi %add3A_0, %min3A : i32
    %c0_i32 = arith.constant 0 : i32
    %c0_i32_2 = arith.constant 0 : i32
    return %c0_i32, %min3A_1 : i32, i32
  }
  func.func @transform_1(%arg0: i32) -> (i32, i32) {
    %add3A = arith.constant 16 : i32
    %add3A_0 = arith.addi %arg0, %add3A : i32
    %min3A = arith.constant 61 : i32
    %min3A_1 = arith.minsi %add3A_0, %min3A : i32
    %c0_i32 = arith.constant 0 : i32
    %c0_i32_2 = arith.constant 0 : i32
    return %c0_i32, %min3A_1 : i32, i32
  }
  func.func @transform_2(%arg0: i32) -> (i32, i32) {
    %add3A = arith.constant 32 : i32
    %add3A_0 = arith.addi %arg0, %add3A : i32
    %min3A = arith.constant 61 : i32
    %min3A_1 = arith.minsi %add3A_0, %min3A : i32
    %c0_i32 = arith.constant 0 : i32
    %c0_i32_2 = arith.constant 0 : i32
    return %c0_i32, %min3A_1 : i32, i32
  }
  func.func @transform_3(%arg0: i32) -> (i32, i32) {
    %add3A = arith.constant 48 : i32
    %add3A_0 = arith.addi %arg0, %add3A : i32
    %min3A = arith.constant 61 : i32
    %min3A_1 = arith.minsi %add3A_0, %min3A : i32
    %c0_i32 = arith.constant 0 : i32
    %c0_i32_2 = arith.constant 0 : i32
    return %c0_i32, %min3A_1 : i32, i32
  }
  func.func @transform_4(%arg0: i32) -> (i32, i32) {
    %c0_i32 = arith.constant 0 : i32
    %c0_i32_0 = arith.constant 0 : i32
    %c0_i32_1 = arith.constant 0 : i32
    return %c0_i32, %c0_i32_0 : i32, i32
  }
  func.func @transform_5(%arg0: i32) -> (i32, i32) {
    %c0_i32 = arith.constant 0 : i32
    %c0_i32_0 = arith.constant 0 : i32
    %c0_i32_1 = arith.constant 0 : i32
    return %c0_i32, %c0_i32_0 : i32, i32
  }
  func.func @transform_6(%arg0: i32) -> (i32, i32) {
    %c0_i32 = arith.constant 0 : i32
    %c0_i32_0 = arith.constant 0 : i32
    return %arg0, %c0_i32 : i32, i32
  }
}

module attributes {stable_mosaic.version = 14 : i64} {
  func.func @body(%arg0: i32, %arg1: memref<1024x128xi32, #tpu.memory_space<vmem>>, %arg2: memref<1x128xf32, #tpu.memory_space<vmem>>, %arg3: memref<1x128xf32, #tpu.memory_space<vmem>>, %arg4: memref<1024x256xf32, #tpu.memory_space<vmem>>) attributes {dimension_semantics = [#tpu.dimension_semantics<arbitrary>], iteration_bounds = array<i64: 4>, scalar_prefetch = 0 : i64, scratch_operands = 0 : i64, tpu.core_type = #tpu.core_type<tc>, window_params = [{transform_indices = @transform_0, window_bounds = array<i64: 1024, 128>}, {pipeline_mode = #tpu.pipeline_mode<synchronous>, transform_indices = @transform_1, window_bounds = array<i64: 1, 128>}, {pipeline_mode = #tpu.pipeline_mode<synchronous>, transform_indices = @transform_2, window_bounds = array<i64: 1, 128>}, {transform_indices = @transform_3, window_bounds = array<i64: 1024, 256>}]} {
    %get3A = arith.constant 0 : index
    %get3A_0 = arith.constant 0 : index
    %get3A_1 = vector.load %arg1[%get3A, %get3A_0] : memref<1024x128xi32, #tpu.memory_space<vmem>>, vector<1024x128xi32>
    %shift_left3A = arith.constant 16 : i32
    %shift_left3A_2 = vector.broadcast %shift_left3A : i32 to vector<1024x128xi32>
    %shift_left3A_3 = arith.shli %get3A_1, %shift_left3A_2 : vector<1024x128xi32>
    %bitcast_convert_type3A = tpu.bitcast %shift_left3A_3 : vector<1024x128xi32> -> vector<1024x128xf32>
    %and3A = arith.constant -65536 : i32
    %and3A_4 = vector.broadcast %and3A : i32 to vector<1024x128xi32>
    %and3A_5 = arith.andi %get3A_1, %and3A_4 : vector<1024x128xi32>
    %bitcast_convert_type3A_6 = tpu.bitcast %and3A_5 : vector<1024x128xi32> -> vector<1024x128xf32>
    %get3A_7 = arith.constant 0 : index
    %get3A_8 = arith.constant 0 : index
    %get3A_9 = vector.load %arg2[%get3A_7, %get3A_8] : memref<1x128xf32, #tpu.memory_space<vmem>>, vector<1x128xf32>
    %add3A = vector.broadcast %get3A_9 : vector<1x128xf32> to vector<1024x128xf32>
    %add3A_10 = arith.addf %bitcast_convert_type3A, %add3A : vector<1024x128xf32>
    %tanh3A = math.tanh %add3A_10 : vector<1024x128xf32>
    %get3A_11 = arith.constant 0 : index
    %get3A_12 = arith.constant 0 : index
    %get3A_13 = vector.load %arg3[%get3A_11, %get3A_12] : memref<1x128xf32, #tpu.memory_space<vmem>>, vector<1x128xf32>
    %add3A_14 = vector.broadcast %get3A_13 : vector<1x128xf32> to vector<1024x128xf32>
    %add3A_15 = arith.addf %bitcast_convert_type3A_6, %add3A_14 : vector<1024x128xf32>
    %tanh3A_16 = math.tanh %add3A_15 : vector<1024x128xf32>
    %slice3A = vector.extract_strided_slice %tanh3A {offsets = [0, 0], sizes = [1024, 32], strides = [1, 1]} : vector<1024x128xf32> to vector<1024x32xf32>
    %slice3A_17 = vector.extract_strided_slice %tanh3A_16 {offsets = [0, 0], sizes = [1024, 32], strides = [1, 1]} : vector<1024x128xf32> to vector<1024x32xf32>
    %slice3A_18 = vector.extract_strided_slice %tanh3A {offsets = [0, 32], sizes = [1024, 32], strides = [1, 1]} : vector<1024x128xf32> to vector<1024x32xf32>
    %slice3A_19 = vector.extract_strided_slice %tanh3A_16 {offsets = [0, 32], sizes = [1024, 32], strides = [1, 1]} : vector<1024x128xf32> to vector<1024x32xf32>
    %slice3A_20 = vector.extract_strided_slice %tanh3A {offsets = [0, 64], sizes = [1024, 32], strides = [1, 1]} : vector<1024x128xf32> to vector<1024x32xf32>
    %slice3A_21 = vector.extract_strided_slice %tanh3A_16 {offsets = [0, 64], sizes = [1024, 32], strides = [1, 1]} : vector<1024x128xf32> to vector<1024x32xf32>
    %slice3A_22 = vector.extract_strided_slice %tanh3A {offsets = [0, 96], sizes = [1024, 32], strides = [1, 1]} : vector<1024x128xf32> to vector<1024x32xf32>
    %slice3A_23 = vector.extract_strided_slice %tanh3A_16 {offsets = [0, 96], sizes = [1024, 32], strides = [1, 1]} : vector<1024x128xf32> to vector<1024x32xf32>
    %concatenate3A = tpu.concatenate %slice3A, %slice3A_17, %slice3A_18, %slice3A_19, %slice3A_20, %slice3A_21, %slice3A_22, %slice3A_23 in 1 : vector<1024x32xf32>, vector<1024x32xf32>, vector<1024x32xf32>, vector<1024x32xf32>, vector<1024x32xf32>, vector<1024x32xf32>, vector<1024x32xf32>, vector<1024x32xf32> -> vector<1024x256xf32>
    %swap3A = arith.constant 0 : index
    %swap3A_24 = arith.constant 0 : index
    %swap3A_25 = vector.load %arg4[%swap3A, %swap3A_24] : memref<1024x256xf32, #tpu.memory_space<vmem>>, vector<1024x256xf32>
    tpu.vector_store %arg4[%swap3A, %swap3A_24], %concatenate3A {strides = array<i32>} : memref<1024x256xf32, #tpu.memory_space<vmem>>, vector<1024x256xf32>,
    return
  }
  func.func @transform_0(%arg0: i32) -> (i32, i32) {
    %c0_i32 = arith.constant 0 : i32
    %c0_i32_0 = arith.constant 0 : i32
    return %arg0, %c0_i32 : i32, i32
  }
  func.func @transform_1(%arg0: i32) -> (i32, i32) {
    %c0_i32 = arith.constant 0 : i32
    %c0_i32_0 = arith.constant 0 : i32
    %c0_i32_1 = arith.constant 0 : i32
    return %c0_i32, %c0_i32_0 : i32, i32
  }
  func.func @transform_2(%arg0: i32) -> (i32, i32) {
    %c0_i32 = arith.constant 0 : i32
    %c0_i32_0 = arith.constant 0 : i32
    %c0_i32_1 = arith.constant 0 : i32
    return %c0_i32, %c0_i32_0 : i32, i32
  }
  func.func @transform_3(%arg0: i32) -> (i32, i32) {
    %c0_i32 = arith.constant 0 : i32
    %c0_i32_0 = arith.constant 0 : i32
    return %arg0, %c0_i32 : i32, i32
  }
}

</mosaic_0001>

<sc_bundles>
// kernel: kernel.5.cloned.1.call-start
scs
__scs_entry_jumppad:
0x0: {  	(pc) =	sbr.rel $0x88, $3  }
0x1: {  	(tag) =	ssettag $0x0;
	lr =	simm.s32 $0x1  }
0x2: {  	[smem:$0x3F9D] =	sst lr;
	_ =	strace $0xD0000000  }
0x3: {  	_ = 	snop  }
0x4: {  	_ = 	snop  }
0x5: {  	_ = 	snop  }
0x6: {  	_ = 	snop  }
0x7: {  	_ = 	snop  }
__scs_overlays_trampoline_lowered:
0x8: {  	[smem:$0x3FAC] =	sst s0  }
0x9: {  	[smem:$0x3FAD] =	sst s1  }
0xa: {  	[smem:$0x3FAE] =	sst s2  }
0xb: {  	[smem:$0x3FAF] =	sst s3  }
0xc: {  	[smem:$0x3FB0] =	sst s4  }
0xd: {  	[smem:$0x3FB1] =	sst s5  }
0xe: {  	[smem:$0x3FB2] =	sst s6  }
0xf: {  	[smem:$0x3FB3] =	sst s7  }
0x10: {  	[smem:$0x3FB4] =	sst s8  }
0x11: {  	[smem:$0x3FB5] =	sst s9;
	s0 =	simm.s32 @!p0 $0x0  }
0x12: {  	s1 =	sld [smem:$0x3F9B];
	s0 =	simm.s32 @p0 $0x1  }
0x13: {  	[smem:$0x3FB6] =	sst s0;
	s0 =	simm.s32 @!p1 $0x0  }
0x14: {  	s2 =	sld [smem:$0x3F9A];
	s0 =	simm.s32 @p1 $0x1  }
0x15: {  	[smem:$0x3FB7] =	sst s0;
	s0 =	simm.s32 @!p2 $0x0  }
0x16: {  	s3 =	sld [smem:$0x3FDB];
	s0 =	simm.s32 @p2 $0x1  }
0x17: {  	s4 =	simm.s32 $0x1BF5;
	[smem:$0x3FB9] =	sst s0  }
0x18: {  	s0 =	sld [smem:$0x3F9C];
	_ =	swait.ge [sflag:s4], $0x0  }
0x19: {  	s7 =	sld [smem:$0x3F9D]  }
0x1a: {  	s8 =	sadd.s32 $0xFFFFE003, lr  }
0x1b: {  	s9 =	sadd.s32 $0xFFFFFEF7, lr;
	s5 =	simm.s32 $0xFFFFFFFF;
	p2 =	slt.u32 s8, $0xFFFFF086  }
0x1c: {  	p1 =	slt.u32 s9, $0xF7A;
	s5 =	simm.s32 @!p2 $0x0  }
0x1d: {  	s5 =	simm.s32 @p1 $0x1;
	p0 =	seq.s32 s7, s2  }
0x1e: {  	s7 =	smul.u32 @!p0 $0xF7A, s2;
	p2 =	seq.s32 @!p0 s5, $0x0  }
0x1f: {  	s9 =	smul.u32 $0xF7A, s1;
	s8 =	simm.s32 @!p0 $0x1BF5;
	p2 =	por !p2, p0  }
0x20: {  	[sflag:s8] =	ssyncset.s32 @!p0 $0xFFFFF086;
	s6 =	sadd.s32 @!p0 s3, s7;
	s7 =	simm.s32 @!p0 $0x108  }
0x21: {  	s3 =	sadd.s32 s3, s9;
	s6 =	sadd.s32 @!p0 $0x88, s6;
	s7 =	simm.s32 @p2 $0x1082  }
0x22: {  	[simem:s7], [sflag:s8] =	dma.local @!p0 [hbm:s6], $0xF7A  }
0x23: {  	s9 =	sor.u32 $0xD0000000, s2;
	s6 =	simm.s32 $0x108;
	_ =	swait.ge @!p0 [sflag:s8], $0x0  }
0x24: {  	s3 =	sadd.s32 $0x88, s3;
	s6 =	simm.s32 @!p1 $0x1082;
	[sflag:s4] =	ssyncset.s32 $0xFFFFF086  }
0x25: {  	[simem:s6], [sflag:s4] =	dma.local [hbm:s3], $0xF7A  }
0x26: {  	[smem:$0x3F9D] =	sst s1;
	(tag) =	ssettag s2;
	_ =	strace s9  }
0x27: {  	s1 =	sld [smem:$0x3FAD]  }
0x28: {  	s2 =	sld [smem:$0x3FAE]  }
0x29: {  	s4 =	sld [smem:$0x3FB0]  }
0x2a: {  	p0 =	seq.s32 s5, $0x0;
	s5 =	sld [smem:$0x3FB1]  }
0x2b: {  	s6 =	sld [smem:$0x3FB2]  }
0x2c: {  	s7 =	sld [smem:$0x3FB3]  }
0x2d: {  	s3 =	simm.s32 $0x108;
	s8 =	sld [smem:$0x3FB4]  }
0x2e: {  	s3 =	simm.s32 @!p0 $0x1082;
	s9 =	sld [smem:$0x3FB5]  }
0x2f: {  	lr =	sadd.s32 s0, s3;
	s0 =	sld [smem:$0x3FAC]  }
0x30: {  	s3 =	sld [smem:$0x3FAF]  }
0x31: {  	[smem:$0x3FB8] =	sst s10  }
0x32: {  	s10 =	sld [smem:$0x3FB6];
	_ =	sdelay $0x3  }
0x33: {  	p0 =	seq.s32 s10, $0x1;
	s10 =	sld [smem:$0x3FB8];
	_ =	sdelay $0x3  }
0x34: {  	[smem:$0x3FB8] =	sst s10  }
0x35: {  	s10 =	sld [smem:$0x3FB7];
	_ =	sdelay $0x3  }
0x36: {  	p1 =	seq.s32 s10, $0x1;
	s10 =	sld [smem:$0x3FB8];
	_ =	sdelay $0x3  }
0x37: {  	[smem:$0x3FB8] =	sst s10  }
0x38: {  	s10 =	sld [smem:$0x3FB9]  }
0x39: {  	_ = 	snop;
	(pc) =	sbr.ind lr, $3  }
0x3a: {  	_ = 	snop  }
0x3b: {  	_ = 	snop  }
0x3c: {  	p2 =	seq.s32 s10, $0x1;
	s10 =	sld [smem:$0x3FB8]  }
0x3d: {  	_ =	shalt  }
0x3e: {  	_ =	shalt  }
0x3f: {  	_ =	shalt  }
0x40: {  	_ =	shalt  }
0x41: {  	_ =	shalt  }
0x42: {  	_ =	shalt  }
0x43: {  	_ =	shalt  }
0x44: {  	_ =	shalt  }
0x45: {  	_ =	shalt  }
0x46: {  	_ =	shalt  }
0x47: {  	_ =	shalt  }
0x48: {  	_ =	shalt  }
0x49: {  	_ =	shalt  }
0x4a: {  	_ =	shalt  }
0x4b: {  	_ =	shalt  }
0x4c: {  	_ =	shalt  }
0x4d: {  	_ =	shalt  }
0x4e: {  	_ =	shalt  }
0x4f: {  	_ =	shalt  }
0x50: {  	_ =	shalt  }
0x51: {  	_ =	shalt  }
0x52: {  	_ =	shalt  }
0x53: {  	_ =	shalt  }
0x54: {  	_ =	shalt  }
0x55: {  	_ =	shalt  }
0x56: {  	_ =	shalt  }
0x57: {  	_ =	shalt  }
0x58: {  	_ =	shalt  }
0x59: {  	_ =	shalt  }
0x5a: {  	_ =	shalt  }
0x5b: {  	_ =	shalt  }
0x5c: {  	_ =	shalt  }
0x5d: {  	_ =	shalt  }
0x5e: {  	_ =	shalt  }
0x5f: {  	_ =	shalt  }
0x60: {  	_ =	shalt  }
0x61: {  	_ =	shalt  }
0x62: {  	_ =	shalt  }
0x63: {  	_ =	shalt  }
0x64: {  	_ =	shalt  }
0x65: {  	_ =	shalt  }
0x66: {  	_ =	shalt  }
0x67: {  	_ =	shalt  }
0x68: {  	_ =	shalt  }
0x69: {  	_ =	shalt  }
0x6a: {  	_ =	shalt  }
0x6b: {  	_ =	shalt  }
0x6c: {  	_ =	shalt  }
0x6d: {  	_ =	shalt  }
0x6e: {  	_ =	shalt  }
0x6f: {  	_ =	shalt  }
0x70: {  	_ =	shalt  }
0x71: {  	_ =	shalt  }
0x72: {  	_ =	shalt  }
0x73: {  	_ =	shalt  }
0x74: {  	_ =	shalt  }
0x75: {  	_ =	shalt  }
0x76: {  	_ =	shalt  }
0x77: {  	_ =	shalt  }
0x78: {  	_ =	shalt  }
0x79: {  	_ =	shalt  }
0x7a: {  	_ =	shalt  }
0x7b: {  	_ =	shalt  }
0x7c: {  	_ =	shalt  }
0x7d: {  	_ =	shalt  }
0x7e: {  	_ =	shalt  }
0x7f: {  	_ =	shalt  }
0x80: {  	_ =	shalt  }
0x81: {  	_ =	shalt  }
0x82: {  	_ =	shalt  }
0x83: {  	_ =	shalt  }
0x84: {  	_ =	shalt  }
0x85: {  	_ =	shalt  }
0x86: {  	_ =	shalt  }
0x87: {  	_ =	shalt  }
.Lfunc_end0:
.L_simem_size_0:
called_computation_lowered:
.L_overlay_start_0:
0x88: {  	s2 =	sld [smem:$0x3FD9]  }
0x89: {  	s3 =	sld [smem:$0x3FFE];
	_ =	sdelay $0x1  }
0x8a: {  	s1 =	srdreg.scid  }
0x8b: {  	s0 =	sand.u32 $0x1, s1  }
0x8c: {  	s17 =	sshll.u32 s0, $0xA;
	s2 =	sadd.s32 s3, s2  }
0x8d: {  	s2 =	sadd.s32 s2, s17  }
0x8e: {  	[smem:$0x3FC4] =	sst s2  }
0x8f: {  	_ = 	snop  }
0x90: {  	s2 =	sld [smem:$0x3FD0];
	(tm) =	ssettm $0x1  }
0x91: {  	s18 =	sld [smem:$0x3FFB];
	_ =	sdelay $0x3  }
0x92: {  	_ =	strace s18  }
0x93: {  	s3 =	sld [smem:$0x3FFC];
	_ =	sdelay $0x3  }
0x94: {  	_ =	strace s3  }
0x95: {  	s3 =	sld [smem:$0x3FFD];
	_ =	sdelay $0x3  }
0x96: {  	_ =	strace s3  }
0x97: {  	_ =	strace $0x8FFFFFFF  }
0x98: {  	s19 =	sld [smem:$0x3FDB];
	_ =	sdelay $0x1  }
0x99: {  	s4 =	simm.s32 $_scs_section_size  }
0x9a: {  	s5 =	simm.s32 $_size__tile_overlayer_lowered;
	s6 =	simm.s32 $_tile_overlayer_lowered  }
0x9b: {  	s22 =	simm.s32 $0x1BFF;
	s21 =	sshll.u32 s6, $0x1;
	s3 =	sadd.s32 s4, s19  }
0x9c: {  	s7 =	simm.s32 $0x0;
	s20 =	sshll.u32 s5, $0x1;
	s5 =	sadd.s32 s21, s3  }
0x9d: {  	[timem:s7], [sflag:s22] =	dma.local [hbm:s5], s20  }
0x9e: {  	_ =	swait.ge [sflag:s22], s20  }
0x9f: {  	s4 =	ssub.s32 $0x0, s20;
	[sflag:s22] =	ssyncset.done $0x0  }
0xa0: {  	[sflag:s22] =	ssyncadd.s32 s4;
	_ =	sdelay $0x1  }
0xa1: {  	s23 =	simm.s32 $0x1B8B  }
0xa2: {  	_ =	swait.ge [sflag:s23], $0x1  }
0xa3: {  	[sflag:s23] =	ssyncset.done $0x0  }
0xa4: {  	s25 =	simm.s32 $0x1B8E;
	s24 =	sld [smem:$0x3FFE];
	[sflag:s23] =	ssyncadd.s32 $0xFFFFFFFF  }
0xa5: {  	s26 =	simm.s32 $execute0_lowered;
	[smem:$0x3FD2] =	sst s25  }
0xa6: {  	s5 =	sshll.u32 s26, $0x1;
	_ =	strace $0x80000046;
	[dreg:$0x1] =	wrdreg $0xFFFFFFFF  }
0xa7: {  	s28 =	simm.s32 $_size_execute0_lowered;
	s3 =	sadd.s32 s3, s5;
	[dreg:$0x0] =	wrdreg $0x0  }
0xa8: {  	s5 =	sshll.u32 s28, $0x1;
	[dreg:$0x2] =	wrdreg s3  }
0xa9: {  	[dreg:$0x3] =	wrdreg s5  }
0xaa: {  	[dreg:$0x4] =	wrdreg $0xC0  }
0xab: {  	_ =	task [dreg:s7], $0x5FFFF  }
0xac: {  	[dreg:$0x1] =	wrdreg $0xFFFFFFFF  }
0xad: {  	[dreg:$0x0] =	wrdreg $0x60  }
0xae: {  	[dreg:$0x2] =	wrdreg s24  }
0xaf: {  	[dreg:$0x3] =	wrdreg s2  }
0xb0: {  	[dreg:$0x4] =	wrdreg $0x9  }
0xb1: {  	_ =	task.clear_ibuf [dreg:s7], $0x5FFFF;
	_ =	strace $0x90000046  }
0xb2: {  	s29 =	simm.s32 $0x9;
	_ =	strace $0x80000048  }
0xb3: {  	_ =	swait.ge [sflag:s29], $0x1  }
0xb4: {  	[sflag:s29] =	ssyncadd.s32 $0xFFFFFFFF  }
0xb5: {  	_ =	strace $0x90000048  }
0xb6: {  	_ =	sfence  }
0xb7: {  	s30 =	sld [smem:$0x0];
	_ =	sdelay $0x2  }
0xb8: {  	s31 =	sshll.u32 s1, $0xD;
	s1 =	sshrl.u32 s1, $0x2  }
0xb9: {  	s3 =	sand.u32 $0x4000, s31;
	s1 =	sadd.s32 s1, s30  }
0xba: {  	s0 =	sor.u32 s3, s0;
	s1 =	sshll.u32 s1, $0x11  }
0xbb: {  	s0 =	sor.u32 s1, s0  }
0xbc: {  	s0 =	sadd.s32 $0x8F2B, s0  }
0xbd: {  	[sflag:s0] =	ssyncadd.remote.s32 $0x1  }
0xbe: {  	_ =	sfence.sel $0xFFFF  }
0xbf: {  	[dreg:$0x0] =	wrdreg $0xFFFFFFFF;
	(pc) =	sbr.abs _section_cstart, $3  }
0xc0: {  	[dreg:$0x1] =	wrdreg $0xFFFFFFFF  }
0xc1: {  	_ =	task.clear_ibuf [dreg:s7], $0x2FFFF;
	_ =	strace $0x9FFFFFFF  }
0xc2: {  	(tm) =	ssettm $0x7FFFFFFF  }
0xc3: {  	_ =	shalt  }
tec
execute0_lowered:
.L_overlay_start_1:
0x0: {  	(tag) =	ssettag $0x1  }
0x1: {  	s1 =	srdreg.scid  }
0x2: {  	s0 =	stileid.u32;
	s6 =	sand.u32 $0x1, s1  }
0x3: {  	s5 =	rddreg [dreg:$0x0];
	s30 =	sshll.u32 s0, $0xA;
	s2 =	sshll.u32 s6, $0x9  }
0x4: {  	s8 =	rddreg [dreg:$0x1];
	s9 =	sor.u32 s2, s30  }
0x5: {  	s1 =	rddreg [dreg:$0x2];
	s2 =	simm.s32 $0x0;
	s3 =	sshrl.u32 s9, $0x3  }
0x6: {  	s10 =	ssub.s32 $0x2, s6;
	[smem:$0x7FF] =	sst s2;
	s3 =	sadd.s32 s3, s5  }
0x7: {  	_ =	strace $0x80000047;
	s4 =	sadd.s32 $0x1600, s3;
	s3 =	simm.s32 $0x2  }
0x8: {  	[tilespmem:s2], [sflag:$0x2] =	stream.linear.gather [hbm4b:s4+s2], $0x200, $0x38;
	[tilespmem:$0x4200] =	vst v63  }
0x9: {  	s7 =	simm.s32 $0x1;
	s11 =	sshrl.u32 s10, $0x1;
	_ =	swait.ge [sflag:s3], $0x200  }
0xa: {  	s6 =	simm.s32 $0x200;
	s10 =	ssub.s32 s10, s11;
	[sflag:s3] =	ssyncset.done $0x0  }
0xb: {  	s5 =	sadd.s32 $0x1E00, s5;
	s31 =	smax.u32 s10, $0x1;
	[sflag:s3] =	ssyncadd.s32 $0xFFFFFE00  }
0xc: {  	[tilespmem:s6], [sflag:$0x1] =	stream.indirect.gather [hbm4b:s5+s6], $0x20, s2, s6, $0xb8;
	[tilespmem:$0x4200] =	vst v63  }
0xd: {  	p0 =	sne.s32 s31, $0x1;
	_ =	swait.ge [sflag:s7], $0x4000  }
.Ltmp0:
0xe: {  	s9 =	sshll.u32 s9, $0x2;
	[sflag:s7] =	ssyncset.done $0x0;
	(pc) =	sbr.rel @!p0 .LBB2_2-.Ltmp0, $4  }
0xf: {  	s8 =	sadd.s32 s8, s9;
	[sflag:s7] =	ssyncadd.s32 $0xFFFFC000  }
0x10: {  	[hbm4b:s8+s2] =	stream.linear.scatter [tilespmem:s6], [sflag:$0x2], $0x4000, $0x38;
	[tilespmem:$0x4200] =	vst v63  }
0x11: {  	_ =	swait.ge [sflag:s3], $0x4000  }
0x12: {  	s9 =	sadd.s32 $0xFFFFFFFF, s31;
	[sflag:s3] =	ssyncset.done $0x0  }
.LBB2_1:
0x13: {  	p0 =	sne.s32 s9, $0x1;
	s9 =	sadd.s32 $0xFFFFFFFF, s9;
	[sflag:s3] =	ssyncadd.s32 $0xFFFFC000  }
0x14: {  	[tilespmem:s2], [sflag:$0x2] =	stream.linear.gather [hbm4b:s4+s2], $0x200, $0x38;
	[tilespmem:$0x4200] =	vst v63  }
0x15: {  	_ =	swait.ge [sflag:s3], $0x200  }
0x16: {  	[sflag:s3] =	ssyncset.done $0x0  }
0x17: {  	[sflag:s3] =	ssyncadd.s32 $0xFFFFFE00  }
0x18: {  	[tilespmem:s6], [sflag:$0x1] =	stream.indirect.gather [hbm4b:s5+s6], $0x20, s2, s6, $0xb8;
	[tilespmem:$0x4200] =	vst v63  }
0x19: {  	_ =	swait.ge [sflag:s7], $0x4000  }
.Ltmp1:
0x1a: {  	[sflag:s7] =	ssyncset.done $0x0;
	(pc) =	sbr.rel @p0 .LBB2_1-.Ltmp1, $4  }
0x1b: {  	[sflag:s7] =	ssyncadd.s32 $0xFFFFC000  }
0x1c: {  	[hbm4b:s8+s2] =	stream.linear.scatter [tilespmem:s6], [sflag:$0x2], $0x4000, $0x38;
	[tilespmem:$0x4200] =	vst v63  }
0x1d: {  	_ =	swait.ge [sflag:s3], $0x4000  }
0x1e: {  	[sflag:s3] =	ssyncset.done $0x0  }
.LBB2_2:
0x1f: {  	[sflag:s3] =	ssyncadd.s32 $0xFFFFC000  }
0x20: {  	_ =	sfence.sel $0x180000  }
0x21: {  	[bflag:$0x0] =	sbarrier.arrive $0xFFFF  }
0x22: {  	p0 =	sne.s32 s0, $0x0;
	_ =	strace $0x90000047  }
0x23: {  	s0 =	sadd.s32 @!p0 $0x100000, s1;
	[bflag:$0x2] =	sbarrier.arrive $0xFFFF  }
0x24: {  	[sflag:s0] =	ssyncadd.tile.s32 @!p0 $0x1;
	_ =	shalt  }
.Lfunc_end2:
_tile_overlayer_lowered:
.L_overlay_start_2:
0x25: {  	(tag) =	ssettag $0x2  }
0x26: {  	s0 =	rddreg [dreg:$0x0];
	s2 =	stileid.u32  }
0x27: {  	s1 =	rddreg [dreg:$0x1];
	p0 =	sne.s32 s2, $0x0  }
0x28: {  	s3 =	rddreg [dreg:$0x2];
	[bflag:$0x3] =	sbarrier.arrive $0xFFFF;
	s2 =	simm.s32 @!p0 $0x1C02  }
0x29: {  	[timem:s3], [sflag:s2] =	dma.local @!p0 [hbm:s0], s1  }
0x2a: {  	s0 =	simm.s32 @!p0 $0x2  }
0x2b: {  	_ =	swait.ge @!p0 [sflag:s0], s1  }
0x2c: {  	s1 =	ssub.s32 @!p0 $0x0, s1;
	[sflag:s0] =	ssyncset.done @!p0 $0x0  }
0x2d: {  	[sflag:s0] =	ssyncadd.s32 @!p0 s1  }
0x2e: {  	[bflag:$0x3] =	sbarrier.arrive $0xFFFF  }
0x2f: {  	_ =	shalt  }

</sc_bundles>
